<compile_context>
chip_gen: v7x
topology: tpu7x:2x2x1
jax: 0.10.2.dev20260603
libtpu: 0.0.44.dev20260713+nightly
codegen_flags: <defaults>
</compile_context>

<pallas_src>
import functools

import jax
import jax.numpy as jnp
from jax import lax
from jax.experimental import pallas as pl
from jax.experimental.pallas import tpu as pltpu
from jax.experimental.pallas import tpu_sc as plsc



def _argmax_body(state_ref, mem_ref, idx_ref):
    sims = lax.dot_general(
        mem_ref[...], state_ref[...],
        dimension_numbers=(((1,), (1,)), ((), ())),
        preferred_element_type=jnp.float32,
        precision=lax.Precision.HIGHEST,
    )
    heads = sims.shape[0]
    m = jnp.max(sims, axis=0, keepdims=True)
    rev = float(heads) - lax.broadcasted_iota(jnp.int32, sims.shape, 0).astype(jnp.float32)
    masked = jnp.where(sims == m, rev, 0.0)
    win = jnp.max(masked, axis=0)
    idx_ref[pl.program_id(0), :] = (float(heads) - win).astype(jnp.int32)


def _compute_indices(state, memories, blk):
    b, d = state.shape
    heads = memories.shape[0]
    n_blk = b // blk
    return pl.pallas_call(
        _argmax_body,
        grid=(n_blk,),
        in_specs=[
            pl.BlockSpec((blk, d), lambda i: (i, 0)),
            pl.BlockSpec((heads, d), lambda i: (0, 0)),
        ],
        out_specs=pl.BlockSpec((n_blk, blk), lambda i: (0, 0)),
        out_shape=jax.ShapeDtypeStruct((n_blk, blk), jnp.int32),
    )(state, memories)



def _make_sc_gather(b, blk, act_dim):
    info = plsc.get_sparse_core_info()
    nc, ns = info.num_cores, info.num_subcores
    nw = nc * ns
    b_per_w = b // nw
    mesh = plsc.VectorSubcoreMesh(core_axis_name="c", subcore_axis_name="s")

    hw = b_per_w // 2

    @functools.partial(
        pl.kernel,
        mesh=mesh,
        out_type=jax.ShapeDtypeStruct((b, act_dim), jnp.float32),
        scratch_types=[
            pltpu.VMEM((b_per_w,), jnp.int32),
            pltpu.VMEM((b_per_w, act_dim), jnp.float32),
            pltpu.SemaphoreType.DMA,
            pltpu.SemaphoreType.DMA,
            pltpu.SemaphoreType.DMA,
        ],
    )
    def gather(table_hbm, idx_hbm, out_hbm, idx_v, rows_v, sem0, sem1, semw):
        wid = lax.axis_index("s") * nc + lax.axis_index("c")
        base = wid * b_per_w
        row = base // blk
        col = base - row * blk
        pltpu.sync_copy(idx_hbm.at[row, pl.ds(col, b_per_w)], idx_v)
        g0 = pltpu.async_copy(
            table_hbm.at[idx_v.at[pl.ds(0, hw)]], rows_v.at[pl.ds(0, hw)], sem0)
        g1 = pltpu.async_copy(
            table_hbm.at[idx_v.at[pl.ds(hw, hw)]], rows_v.at[pl.ds(hw, hw)], sem1)
        g0.wait()
        w0 = pltpu.async_copy(
            rows_v.at[pl.ds(0, hw)], out_hbm.at[pl.ds(base, hw)], semw)
        g1.wait()
        pltpu.sync_copy(rows_v.at[pl.ds(hw, hw)], out_hbm.at[pl.ds(base + hw, hw)])
        w0.wait()

    return gather


@jax.jit
def kernel(state, memories, logits):
    b = state.shape[0]
    act_dim = logits.shape[1]
    blk = 2048
    idx2d = _compute_indices(state, memories, blk)
    out = _make_sc_gather(b, blk, act_dim)(logits, idx2d)
    return out

# --- scband reference (transcript-rebuilt; emitter-appended) ---
"""Pipeline reference for scband-mem-module-basic-18811956757050 (READ-ONLY COPY).

The authoritative reference and input builder live on the scoring server;
editing this copy changes nothing except your own understanding.
"""

import jax, jax.numpy as jnp
import numpy as np

B = 2048
D = 256
HEADS = 1024
ACT_DIM = 128


def setup_inputs(seed: int = 0) -> dict:
    key = jax.random.key(seed)
    k1, k2, k3 = jax.random.split(key, 3)
    state = jax.random.normal(k1, (B, D), dtype=jnp.float32)
    mem_raw = jax.random.normal(k2, (HEADS, D), dtype=jnp.float32)
    # update_dna normalizes each memory row to unit norm (F.normalize dim=0 on a 1-D vector)
    memories = mem_raw / jnp.linalg.norm(mem_raw, axis=1, keepdims=True)
    log_raw = jax.random.normal(k3, (HEADS, ACT_DIM), dtype=jnp.float32)
    logits = log_raw / jnp.linalg.norm(log_raw, axis=1, keepdims=True)
    return {"state": state, "memories": memories, "logits": logits}


def reference(state, memories, logits):
    # state.view([B, -1])
    s = state.reshape((state.shape[0], -1))
    # similarities = sum(state[:, None] * memories[None, :], dim=-1)  -> [B, HEADS]
    similarities = jnp.sum(s[:, None, :] * memories[None, :, :], axis=-1)
    # closest_memories = argmax(similarities, dim=1)
    closest_memories = jnp.argmax(similarities, axis=1)
    # logits = self.logits[closest_memories]
    out = jnp.take(logits, closest_memories, axis=0)
    return out

if __name__ == "__main__":
    import jax
    _d = setup_inputs()
    print(jax.jit(kernel)(*tuple(_d.values())))

</pallas_src>

<mosaic_0001>
#map = affine_map<(d0, d1) -> (0, 0)>
module attributes {stable_mosaic.version = 14 : i64} {
  func.func @gather(%arg0: i32, %arg1: i32, %arg2: memref<1024x128xf32, #tpu.memory_space<hbm>>, %arg3: memref<1x2048xi32, #tpu.memory_space<hbm>>, %arg4: memref<2048x128xf32, #tpu.memory_space<hbm>>, %arg5: memref<64xi32, #tpu.memory_space<vmem>>, %arg6: memref<64x128xf32, #tpu.memory_space<vmem>>, %arg7: memref<!tpu.dma_semaphore, #tpu.memory_space<semaphore_mem>>, %arg8: memref<!tpu.dma_semaphore, #tpu.memory_space<semaphore_mem>>, %arg9: memref<!tpu.dma_semaphore, #tpu.memory_space<semaphore_mem>>) attributes {dimension_semantics = [#tpu.dimension_semantics<core_parallel>, #tpu.dimension_semantics<subcore_parallel>], iteration_bounds = array<i64: 2, 16>, scalar_prefetch = 0 : i64, scratch_operands = 5 : i64, tpu.core_type = #tpu.core_type<sc_vector_subcore>, window_params = [{transform_indices = #map}, {transform_indices = #map}, {transform_indices = #map}]} {
    %mul3A = arith.constant 2 : i32
    %mul3A_0 = arith.muli %arg1, %mul3A : i32
    %add3A = arith.addi %mul3A_0, %arg0 : i32
    %mul3A_1 = arith.constant 64 : i32
    %mul3A_2 = arith.muli %add3A, %mul3A_1 : i32
    %jit3A = arith.constant 2048 : i32
    %div3A = arith.divsi %mul3A_2, %jit3A : i32
    %sign3A = arith.constant 0 : i32
    %sign3A_3 = arith.cmpi sgt, %mul3A_2, %sign3A : i32
    %sign3A_4 = arith.extui %sign3A_3 : i1 to i32
    %sign3A_5 = arith.constant 0 : i32
    %sign3A_6 = arith.cmpi slt, %mul3A_2, %sign3A_5 : i32
    %sign3A_7 = arith.extui %sign3A_6 : i1 to i32
    %sign3A_8 = arith.subi %sign3A_4, %sign3A_7 : i32
    %sign3A_9 = arith.constant 0 : i32
    %sign3A_10 = arith.cmpi sgt, %jit3A, %sign3A_9 : i32
    %sign3A_11 = arith.extui %sign3A_10 : i1 to i32
    %sign3A_12 = arith.constant 0 : i32
    %sign3A_13 = arith.cmpi slt, %jit3A, %sign3A_12 : i32
    %sign3A_14 = arith.extui %sign3A_13 : i1 to i32
    %sign3A_15 = arith.subi %sign3A_11, %sign3A_14 : i32
    %ne3A = arith.cmpi ne, %sign3A_8, %sign3A_15 : i32
    %rem3A = arith.remsi %mul3A_2, %jit3A : i32
    %ne3A_16 = arith.constant 0 : i32
    %ne3A_17 = arith.cmpi ne, %rem3A, %ne3A_16 : i32
    %and3A = arith.andi %ne3A, %ne3A_17 : i1
    %sub3A = arith.constant 1 : i32
    %sub3A_18 = arith.subi %div3A, %sub3A : i32
    %select_n3A = arith.select %and3A, %sub3A_18, %div3A : i32
    %mul3A_19 = arith.constant 2048 : i32
    %mul3A_20 = arith.muli %select_n3A, %mul3A_19 : i32
    %sub3A_21 = arith.subi %mul3A_2, %mul3A_20 : i32
    "tpu.region"() ({
      %run_scoped3A = tpu.sem_alloc : memref<!tpu.dma_semaphore, #tpu.memory_space<semaphore_mem>>
      %dma_start3A_74 = tpu.memref_slice %arg3[%select_n3A, %sub3A_21] : memref<1x2048xi32, #tpu.memory_space<hbm>> -> memref<1x64xi32, #tpu.memory_space<hbm>>
      %dma_start3A_75 = tpu.memref_squeeze %dma_start3A_74 : memref<1x64xi32, #tpu.memory_space<hbm>> -> memref<64xi32, #tpu.memory_space<hbm>>
      %dma_start3A_76 = tpu.memref_slice %arg3[%select_n3A, %sub3A_21] : memref<1x2048xi32, #tpu.memory_space<hbm>> -> memref<1x64xi32, #tpu.memory_space<hbm>>
      %dma_start3A_77 = tpu.memref_squeeze %dma_start3A_76 : memref<1x64xi32, #tpu.memory_space<hbm>> -> memref<64xi32, #tpu.memory_space<hbm>>
      tpu.enqueue_dma source(%dma_start3A_77 : memref<64xi32, #tpu.memory_space<hbm>>) target(%arg5 : memref<64xi32, #tpu.memory_space<vmem>>) target_semaphore(%run_scoped3A : memref<!tpu.dma_semaphore, #tpu.memory_space<semaphore_mem>>)
      %dma_wait3A_78 = tpu.memref_slice %arg3[%select_n3A, %sub3A_21] : memref<1x2048xi32, #tpu.memory_space<hbm>> -> memref<1x64xi32, #tpu.memory_space<hbm>>
      %dma_wait3A_79 = tpu.memref_squeeze %dma_wait3A_78 : memref<1x64xi32, #tpu.memory_space<hbm>> -> memref<64xi32, #tpu.memory_space<hbm>>
      %dma_wait3A_80 = tpu.memref_slice %arg3[%select_n3A, %sub3A_21] : memref<1x2048xi32, #tpu.memory_space<hbm>> -> memref<1x64xi32, #tpu.memory_space<hbm>>
      %dma_wait3A_81 = tpu.memref_squeeze %dma_wait3A_80 : memref<1x64xi32, #tpu.memory_space<hbm>> -> memref<64xi32, #tpu.memory_space<hbm>>
      tpu.wait_dma2 semaphore(%run_scoped3A : memref<!tpu.dma_semaphore, #tpu.memory_space<semaphore_mem>>) src(%dma_wait3A_81 : memref<64xi32, #tpu.memory_space<hbm>>) dst(%arg5 : memref<64xi32, #tpu.memory_space<vmem>>)
      tpu.yield
    }) : () -> ()
    %dma_start3A = arith.constant 0 : i32
    %dma_start3A_22 = arith.constant 0 : i32
    %dma_start3A_23 = tpu.memref_slice %arg6[%dma_start3A, %dma_start3A_22] : memref<64x128xf32, #tpu.memory_space<vmem>> -> memref<32x128xf32, #tpu.memory_space<vmem>>
    %dma_start3A_24 = arith.constant 0 : i32
    %dma_start3A_25 = tpu.memref_slice %arg5[%dma_start3A_24] : memref<64xi32, #tpu.memory_space<vmem>> -> memref<32xi32, #tpu.memory_space<vmem>>
    %dma_start3A_26 = arith.constant 0 : i32
    %dma_start3A_27 = arith.constant 0 : i32
    %dma_start3A_28 = tpu.memref_slice %arg2[%dma_start3A_26, %dma_start3A_27] : memref<1024x128xf32, #tpu.memory_space<hbm>> -> memref<1024x128xf32, #tpu.memory_space<hbm>>
    tpu.enqueue_indirect_dma source(%dma_start3A_28 : memref<1024x128xf32, #tpu.memory_space<hbm>>) target(%dma_start3A_23 : memref<32x128xf32, #tpu.memory_space<vmem>>) offsets(%dma_start3A_25 : memref<32xi32, #tpu.memory_space<vmem>>) semaphore(%arg7 : memref<!tpu.dma_semaphore, #tpu.memory_space<semaphore_mem>>)
    %dma_start3A_29 = arith.constant 32 : i32
    %dma_start3A_30 = arith.constant 0 : i32
    %dma_start3A_31 = tpu.memref_slice %arg6[%dma_start3A_29, %dma_start3A_30] : memref<64x128xf32, #tpu.memory_space<vmem>> -> memref<32x128xf32, #tpu.memory_space<vmem>>
    %dma_start3A_32 = arith.constant 32 : i32
    %dma_start3A_33 = tpu.memref_slice %arg5[%dma_start3A_32] : memref<64xi32, #tpu.memory_space<vmem>> -> memref<32xi32, #tpu.memory_space<vmem>>
    %dma_start3A_34 = arith.constant 0 : i32
    %dma_start3A_35 = arith.constant 0 : i32
    %dma_start3A_36 = tpu.memref_slice %arg2[%dma_start3A_34, %dma_start3A_35] : memref<1024x128xf32, #tpu.memory_space<hbm>> -> memref<1024x128xf32, #tpu.memory_space<hbm>>
    tpu.enqueue_indirect_dma source(%dma_start3A_36 : memref<1024x128xf32, #tpu.memory_space<hbm>>) target(%dma_start3A_31 : memref<32x128xf32, #tpu.memory_space<vmem>>) offsets(%dma_start3A_33 : memref<32xi32, #tpu.memory_space<vmem>>) semaphore(%arg8 : memref<!tpu.dma_semaphore, #tpu.memory_space<semaphore_mem>>)
    %dma_wait3A = arith.constant 0 : i32
    %dma_wait3A_37 = arith.constant 0 : i32
    %dma_wait3A_38 = tpu.memref_slice %arg6[%dma_wait3A, %dma_wait3A_37] : memref<64x128xf32, #tpu.memory_space<vmem>> -> memref<32x128xf32, #tpu.memory_space<vmem>>
    %dma_wait3A_39 = arith.constant 0 : i32
    %dma_wait3A_40 = tpu.memref_slice %arg5[%dma_wait3A_39] : memref<64xi32, #tpu.memory_space<vmem>> -> memref<32xi32, #tpu.memory_space<vmem>>
    %dma_wait3A_41 = arith.constant 0 : i32
    %dma_wait3A_42 = arith.constant 0 : i32
    %dma_wait3A_43 = tpu.memref_slice %arg2[%dma_wait3A_41, %dma_wait3A_42] : memref<1024x128xf32, #tpu.memory_space<hbm>> -> memref<1024x128xf32, #tpu.memory_space<hbm>>
    tpu.wait_indirect_dma semaphore(%arg7 : memref<!tpu.dma_semaphore, #tpu.memory_space<semaphore_mem>>) src(%dma_wait3A_43 : memref<1024x128xf32, #tpu.memory_space<hbm>>) dst(%dma_wait3A_38 : memref<32x128xf32, #tpu.memory_space<vmem>>)
    %dma_start3A_44 = arith.constant 0 : i32
    %dma_start3A_45 = arith.constant 0 : i32
    %dma_start3A_46 = tpu.memref_slice %arg6[%dma_start3A_44, %dma_start3A_45] : memref<64x128xf32, #tpu.memory_space<vmem>> -> memref<32x128xf32, #tpu.memory_space<vmem>>
    %dma_start3A_47 = arith.constant 0 : i32
    %dma_start3A_48 = tpu.memref_slice %arg4[%mul3A_2, %dma_start3A_47] : memref<2048x128xf32, #tpu.memory_space<hbm>> -> memref<32x128xf32, #tpu.memory_space<hbm>>
    %dma_start3A_49 = arith.constant 0 : i32
    %dma_start3A_50 = tpu.memref_slice %arg4[%mul3A_2, %dma_start3A_49] : memref<2048x128xf32, #tpu.memory_space<hbm>> -> memref<32x128xf32, #tpu.memory_space<hbm>>
    %dma_start3A_51 = arith.constant 0 : i32
    %dma_start3A_52 = arith.constant 0 : i32
    %dma_start3A_53 = tpu.memref_slice %arg6[%dma_start3A_51, %dma_start3A_52] : memref<64x128xf32, #tpu.memory_space<vmem>> -> memref<32x128xf32, #tpu.memory_space<vmem>>
    tpu.enqueue_dma source(%dma_start3A_53 : memref<32x128xf32, #tpu.memory_space<vmem>>) target(%dma_start3A_50 : memref<32x128xf32, #tpu.memory_space<hbm>>) target_semaphore(%arg9 : memref<!tpu.dma_semaphore, #tpu.memory_space<semaphore_mem>>)
    %dma_wait3A_54 = arith.constant 32 : i32
    %dma_wait3A_55 = arith.constant 0 : i32
    %dma_wait3A_56 = tpu.memref_slice %arg6[%dma_wait3A_54, %dma_wait3A_55] : memref<64x128xf32, #tpu.memory_space<vmem>> -> memref<32x128xf32, #tpu.memory_space<vmem>>
    %dma_wait3A_57 = arith.constant 32 : i32
    %dma_wait3A_58 = tpu.memref_slice %arg5[%dma_wait3A_57] : memref<64xi32, #tpu.memory_space<vmem>> -> memref<32xi32, #tpu.memory_space<vmem>>
    %dma_wait3A_59 = arith.constant 0 : i32
    %dma_wait3A_60 = arith.constant 0 : i32
    %dma_wait3A_61 = tpu.memref_slice %arg2[%dma_wait3A_59, %dma_wait3A_60] : memref<1024x128xf32, #tpu.memory_space<hbm>> -> memref<1024x128xf32, #tpu.memory_space<hbm>>
    tpu.wait_indirect_dma semaphore(%arg8 : memref<!tpu.dma_semaphore, #tpu.memory_space<semaphore_mem>>) src(%dma_wait3A_61 : memref<1024x128xf32, #tpu.memory_space<hbm>>) dst(%dma_wait3A_56 : memref<32x128xf32, #tpu.memory_space<vmem>>)
    %add3A_62 = arith.constant 32 : i32
    %add3A_63 = arith.addi %mul3A_2, %add3A_62 : i32
    "tpu.region"() ({
      %run_scoped3A = tpu.sem_alloc : memref<!tpu.dma_semaphore, #tpu.memory_space<semaphore_mem>>
      %dma_start3A_74 = arith.constant 32 : i32
      %dma_start3A_75 = arith.constant 0 : i32
      %dma_start3A_76 = tpu.memref_slice %arg6[%dma_start3A_74, %dma_start3A_75] : memref<64x128xf32, #tpu.memory_space<vmem>> -> memref<32x128xf32, #tpu.memory_space<vmem>>
      %dma_start3A_77 = arith.constant 0 : i32
      %dma_start3A_78 = tpu.memref_slice %arg4[%add3A_63, %dma_start3A_77] : memref<2048x128xf32, #tpu.memory_space<hbm>> -> memref<32x128xf32, #tpu.memory_space<hbm>>
      %dma_start3A_79 = arith.constant 0 : i32
      %dma_start3A_80 = tpu.memref_slice %arg4[%add3A_63, %dma_start3A_79] : memref<2048x128xf32, #tpu.memory_space<hbm>> -> memref<32x128xf32, #tpu.memory_space<hbm>>
      %dma_start3A_81 = arith.constant 32 : i32
      %dma_start3A_82 = arith.constant 0 : i32
      %dma_start3A_83 = tpu.memref_slice %arg6[%dma_start3A_81, %dma_start3A_82] : memref<64x128xf32, #tpu.memory_space<vmem>> -> memref<32x128xf32, #tpu.memory_space<vmem>>
      tpu.enqueue_dma source(%dma_start3A_83 : memref<32x128xf32, #tpu.memory_space<vmem>>) target(%dma_start3A_80 : memref<32x128xf32, #tpu.memory_space<hbm>>) target_semaphore(%run_scoped3A : memref<!tpu.dma_semaphore, #tpu.memory_space<semaphore_mem>>)
      %dma_wait3A_84 = arith.constant 32 : i32
      %dma_wait3A_85 = arith.constant 0 : i32
      %dma_wait3A_86 = tpu.memref_slice %arg6[%dma_wait3A_84, %dma_wait3A_85] : memref<64x128xf32, #tpu.memory_space<vmem>> -> memref<32x128xf32, #tpu.memory_space<vmem>>
      %dma_wait3A_87 = arith.constant 0 : i32
      %dma_wait3A_88 = tpu.memref_slice %arg4[%add3A_63, %dma_wait3A_87] : memref<2048x128xf32, #tpu.memory_space<hbm>> -> memref<32x128xf32, #tpu.memory_space<hbm>>
      %dma_wait3A_89 = arith.constant 0 : i32
      %dma_wait3A_90 = tpu.memref_slice %arg4[%add3A_63, %dma_wait3A_89] : memref<2048x128xf32, #tpu.memory_space<hbm>> -> memref<32x128xf32, #tpu.memory_space<hbm>>
      %dma_wait3A_91 = arith.constant 32 : i32
      %dma_wait3A_92 = arith.constant 0 : i32
      %dma_wait3A_93 = tpu.memref_slice %arg6[%dma_wait3A_91, %dma_wait3A_92] : memref<64x128xf32, #tpu.memory_space<vmem>> -> memref<32x128xf32, #tpu.memory_space<vmem>>
      tpu.wait_dma2 semaphore(%run_scoped3A : memref<!tpu.dma_semaphore, #tpu.memory_space<semaphore_mem>>) src(%dma_wait3A_93 : memref<32x128xf32, #tpu.memory_space<vmem>>) dst(%dma_wait3A_90 : memref<32x128xf32, #tpu.memory_space<hbm>>)
      tpu.yield
    }) : () -> ()
    %dma_wait3A_64 = arith.constant 0 : i32
    %dma_wait3A_65 = arith.constant 0 : i32
    %dma_wait3A_66 = tpu.memref_slice %arg6[%dma_wait3A_64, %dma_wait3A_65] : memref<64x128xf32, #tpu.memory_space<vmem>> -> memref<32x128xf32, #tpu.memory_space<vmem>>
    %dma_wait3A_67 = arith.constant 0 : i32
    %dma_wait3A_68 = tpu.memref_slice %arg4[%mul3A_2, %dma_wait3A_67] : memref<2048x128xf32, #tpu.memory_space<hbm>> -> memref<32x128xf32, #tpu.memory_space<hbm>>
    %dma_wait3A_69 = arith.constant 0 : i32
    %dma_wait3A_70 = tpu.memref_slice %arg4[%mul3A_2, %dma_wait3A_69] : memref<2048x128xf32, #tpu.memory_space<hbm>> -> memref<32x128xf32, #tpu.memory_space<hbm>>
    %dma_wait3A_71 = arith.constant 0 : i32
    %dma_wait3A_72 = arith.constant 0 : i32
    %dma_wait3A_73 = tpu.memref_slice %arg6[%dma_wait3A_71, %dma_wait3A_72] : memref<64x128xf32, #tpu.memory_space<vmem>> -> memref<32x128xf32, #tpu.memory_space<vmem>>
    tpu.wait_dma2 semaphore(%arg9 : memref<!tpu.dma_semaphore, #tpu.memory_space<semaphore_mem>>) src(%dma_wait3A_73 : memref<32x128xf32, #tpu.memory_space<vmem>>) dst(%dma_wait3A_70 : memref<32x128xf32, #tpu.memory_space<hbm>>)
    return
  }
}

module attributes {stable_mosaic.version = 14 : i64} {
  func.func @_argmax_body(%arg0: i32, %arg1: memref<2048x256xf32, #tpu.memory_space<vmem>>, %arg2: memref<1024x256xf32, #tpu.memory_space<vmem>>, %arg3: memref<1x2048xi32, #tpu.memory_space<vmem>>) attributes {dimension_semantics = [#tpu.dimension_semantics<arbitrary>], iteration_bounds = array<i64: 1>, scalar_prefetch = 0 : i64, scratch_operands = 0 : i64, tpu.core_type = #tpu.core_type<tc>, window_params = [{transform_indices = @transform_0, window_bounds = array<i64: 2048, 256>}, {pipeline_mode = #tpu.pipeline_mode<synchronous>, transform_indices = @transform_1, window_bounds = array<i64: 1024, 256>}, {pipeline_mode = #tpu.pipeline_mode<synchronous>, transform_indices = @transform_2, window_bounds = array<i64: 1, 2048>}]} {
    %get3A = arith.constant 0 : index
    %get3A_0 = arith.constant 0 : index
    %get3A_1 = vector.load %arg2[%get3A, %get3A_0] : memref<1024x256xf32, #tpu.memory_space<vmem>>, vector<1024x256xf32>
    %get3A_2 = arith.constant 0 : index
    %get3A_3 = arith.constant 0 : index
    %get3A_4 = vector.load %arg1[%get3A_2, %get3A_3] : memref<2048x256xf32, #tpu.memory_space<vmem>>, vector<2048x256xf32>
    %dot_general3A = arith.constant dense<0.000000e+00> : vector<1024x2048xf32>
    %dot_general3A_5 = tpu.matmul %get3A_1, %get3A_4, %dot_general3A {dimension_numbers = #tpu.dot_dimension_numbers<[1], [1], [0], [0], [0, 0, 1, 0], [], []>, precision = #tpu.contract_precision<fp32>, transpose_lhs_hint = false} : vector<1024x256xf32>, vector<2048x256xf32>, vector<1024x2048xf32> -> vector<1024x2048xf32>
    %reduce_max3A = arith.constant dense<0xFF800000> : vector<2048xf32>
    %reduce_max3A_6 = vector.multi_reduction <maximumf>, %dot_general3A_5, %reduce_max3A [0] : vector<1024x2048xf32> to vector<2048xf32>
    %broadcast_in_dim3A = vector.shape_cast %reduce_max3A_6 : vector<2048xf32> to vector<1x2048xf32>
    %iota3A = tpu.iota {dimensions = array<i32: 0>} : vector<1024x2048xi32>
    %convert_element_type3A = arith.sitofp %iota3A : vector<1024x2048xi32> to vector<1024x2048xf32>
    %sub3A = arith.constant 1.024000e+03 : f32
    %sub3A_7 = vector.broadcast %sub3A : f32 to vector<1024x2048xf32>
    %sub3A_8 = arith.subf %sub3A_7, %convert_element_type3A : vector<1024x2048xf32>
    %eq3A = vector.broadcast %broadcast_in_dim3A : vector<1x2048xf32> to vector<1024x2048xf32>
    %eq3A_9 = arith.cmpf oeq, %dot_general3A_5, %eq3A : vector<1024x2048xf32>
    %jit3A = arith.constant 0.000000e+00 : f32
    %broadcast_in_dim3A_10 = vector.broadcast %jit3A : f32 to vector<1024x2048xf32>
    %select_n3A = arith.select %eq3A_9, %sub3A_8, %broadcast_in_dim3A_10 : vector<1024x2048xi1>, vector<1024x2048xf32>
    %reduce_max3A_11 = arith.constant dense<0xFF800000> : vector<2048xf32>
    %reduce_max3A_12 = vector.multi_reduction <maximumf>, %select_n3A, %reduce_max3A_11 [0] : vector<1024x2048xf32> to vector<2048xf32>
    %sub3A_13 = arith.constant 1.024000e+03 : f32
    %sub3A_14 = vector.broadcast %sub3A_13 : f32 to vector<2048xf32>
    %sub3A_15 = arith.subf %sub3A_14, %reduce_max3A_12 : vector<2048xf32>
    %convert_element_type3A_16 = arith.fptosi %sub3A_15 : vector<2048xf32> to vector<2048xi32>
    %swap3A = arith.index_cast %arg0 : i32 to index
    %swap3A_17 = arith.constant 0 : index
    %swap3A_18 = vector.load %arg3[%swap3A, %swap3A_17] : memref<1x2048xi32, #tpu.memory_space<vmem>>, vector<1x2048xi32>
    %swap3A_19 = vector.shape_cast %swap3A_18 : vector<1x2048xi32> to vector<2048xi32>
    %swap3A_20 = vector.shape_cast %convert_element_type3A_16 : vector<2048xi32> to vector<1x2048xi32>
    tpu.vector_store %arg3[%swap3A, %swap3A_17], %swap3A_20 {strides = array<i32>} : memref<1x2048xi32, #tpu.memory_space<vmem>>, vector<1x2048xi32>,
    return
  }
  func.func @transform_0(%arg0: i32) -> (i32, i32) {
    %c0_i32 = arith.constant 0 : i32
    %c0_i32_0 = arith.constant 0 : i32
    return %arg0, %c0_i32 : i32, i32
  }
  func.func @transform_1(%arg0: i32) -> (i32, i32) {
    %c0_i32 = arith.constant 0 : i32
    %c0_i32_0 = arith.constant 0 : i32
    %c0_i32_1 = arith.constant 0 : i32
    return %c0_i32, %c0_i32_0 : i32, i32
  }
  func.func @transform_2(%arg0: i32) -> (i32, i32) {
    %c0_i32 = arith.constant 0 : i32
    %c0_i32_0 = arith.constant 0 : i32
    %c0_i32_1 = arith.constant 0 : i32
    return %c0_i32, %c0_i32_0 : i32, i32
  }
}

</mosaic_0001>

<sc_bundles>
// kernel: kernel.4.cloned.1.call-start
scs
__scs_entry_jumppad:
0x0: {  	(pc) =	sbr.rel $0x88, $3  }
0x1: {  	(tag) =	ssettag $0x0;
	lr =	simm.s32 $0x1  }
0x2: {  	[smem:$0x3F9E] =	sst lr;
	_ =	strace $0xD0000000  }
0x3: {  	_ = 	snop  }
0x4: {  	_ = 	snop  }
0x5: {  	_ = 	snop  }
0x6: {  	_ = 	snop  }
0x7: {  	_ = 	snop  }
__scs_overlays_trampoline_lowered:
0x8: {  	[smem:$0x3FAD] =	sst s0  }
0x9: {  	[smem:$0x3FAE] =	sst s1  }
0xa: {  	[smem:$0x3FAF] =	sst s2  }
0xb: {  	[smem:$0x3FB0] =	sst s3  }
0xc: {  	[smem:$0x3FB1] =	sst s4  }
0xd: {  	[smem:$0x3FB2] =	sst s5  }
0xe: {  	[smem:$0x3FB3] =	sst s6  }
0xf: {  	[smem:$0x3FB4] =	sst s7  }
0x10: {  	[smem:$0x3FB5] =	sst s8  }
0x11: {  	[smem:$0x3FB6] =	sst s9;
	s0 =	simm.s32 @!p0 $0x0  }
0x12: {  	s1 =	sld [smem:$0x3F9C];
	s0 =	simm.s32 @p0 $0x1  }
0x13: {  	[smem:$0x3FB7] =	sst s0;
	s0 =	simm.s32 @!p1 $0x0  }
0x14: {  	s2 =	sld [smem:$0x3F9B];
	s0 =	simm.s32 @p1 $0x1  }
0x15: {  	[smem:$0x3FB8] =	sst s0;
	s0 =	simm.s32 @!p2 $0x0  }
0x16: {  	s3 =	sld [smem:$0x3FDB];
	s0 =	simm.s32 @p2 $0x1  }
0x17: {  	s4 =	simm.s32 $0x1BF5;
	[smem:$0x3FBA] =	sst s0  }
0x18: {  	s0 =	sld [smem:$0x3F9D];
	_ =	swait.ge [sflag:s4], $0x0  }
0x19: {  	s7 =	sld [smem:$0x3F9E]  }
0x1a: {  	s8 =	sadd.s32 $0xFFFFE003, lr  }
0x1b: {  	s9 =	sadd.s32 $0xFFFFFEF7, lr;
	s5 =	simm.s32 $0xFFFFFFFF;
	p2 =	slt.u32 s8, $0xFFFFF086  }
0x1c: {  	p1 =	slt.u32 s9, $0xF7A;
	s5 =	simm.s32 @!p2 $0x0  }
0x1d: {  	s5 =	simm.s32 @p1 $0x1;
	p0 =	seq.s32 s7, s2  }
0x1e: {  	s7 =	smul.u32 @!p0 $0xF7A, s2;
	p2 =	seq.s32 @!p0 s5, $0x0  }
0x1f: {  	s9 =	smul.u32 $0xF7A, s1;
	s8 =	simm.s32 @!p0 $0x1BF5;
	p2 =	por !p2, p0  }
0x20: {  	[sflag:s8] =	ssyncset.s32 @!p0 $0xFFFFF086;
	s6 =	sadd.s32 @!p0 s3, s7;
	s7 =	simm.s32 @!p0 $0x108  }
0x21: {  	s3 =	sadd.s32 s3, s9;
	s6 =	sadd.s32 @!p0 $0x88, s6;
	s7 =	simm.s32 @p2 $0x1082  }
0x22: {  	[simem:s7], [sflag:s8] =	dma.local @!p0 [hbm:s6], $0xF7A  }
0x23: {  	s9 =	sor.u32 $0xD0000000, s2;
	s6 =	simm.s32 $0x108;
	_ =	swait.ge @!p0 [sflag:s8], $0x0  }
0x24: {  	s3 =	sadd.s32 $0x88, s3;
	s6 =	simm.s32 @!p1 $0x1082;
	[sflag:s4] =	ssyncset.s32 $0xFFFFF086  }
0x25: {  	[simem:s6], [sflag:s4] =	dma.local [hbm:s3], $0xF7A  }
0x26: {  	[smem:$0x3F9E] =	sst s1;
	(tag) =	ssettag s2;
	_ =	strace s9  }
0x27: {  	s1 =	sld [smem:$0x3FAE]  }
0x28: {  	s2 =	sld [smem:$0x3FAF]  }
0x29: {  	s4 =	sld [smem:$0x3FB1]  }
0x2a: {  	p0 =	seq.s32 s5, $0x0;
	s5 =	sld [smem:$0x3FB2]  }
0x2b: {  	s6 =	sld [smem:$0x3FB3]  }
0x2c: {  	s7 =	sld [smem:$0x3FB4]  }
0x2d: {  	s3 =	simm.s32 $0x108;
	s8 =	sld [smem:$0x3FB5]  }
0x2e: {  	s3 =	simm.s32 @!p0 $0x1082;
	s9 =	sld [smem:$0x3FB6]  }
0x2f: {  	lr =	sadd.s32 s0, s3;
	s0 =	sld [smem:$0x3FAD]  }
0x30: {  	s3 =	sld [smem:$0x3FB0]  }
0x31: {  	[smem:$0x3FB9] =	sst s10  }
0x32: {  	s10 =	sld [smem:$0x3FB7];
	_ =	sdelay $0x3  }
0x33: {  	p0 =	seq.s32 s10, $0x1;
	s10 =	sld [smem:$0x3FB9];
	_ =	sdelay $0x3  }
0x34: {  	[smem:$0x3FB9] =	sst s10  }
0x35: {  	s10 =	sld [smem:$0x3FB8];
	_ =	sdelay $0x3  }
0x36: {  	p1 =	seq.s32 s10, $0x1;
	s10 =	sld [smem:$0x3FB9];
	_ =	sdelay $0x3  }
0x37: {  	[smem:$0x3FB9] =	sst s10  }
0x38: {  	s10 =	sld [smem:$0x3FBA]  }
0x39: {  	_ = 	snop;
	(pc) =	sbr.ind lr, $3  }
0x3a: {  	_ = 	snop  }
0x3b: {  	_ = 	snop  }
0x3c: {  	p2 =	seq.s32 s10, $0x1;
	s10 =	sld [smem:$0x3FB9]  }
0x3d: {  	_ =	shalt  }
0x3e: {  	_ =	shalt  }
0x3f: {  	_ =	shalt  }
0x40: {  	_ =	shalt  }
0x41: {  	_ =	shalt  }
0x42: {  	_ =	shalt  }
0x43: {  	_ =	shalt  }
0x44: {  	_ =	shalt  }
0x45: {  	_ =	shalt  }
0x46: {  	_ =	shalt  }
0x47: {  	_ =	shalt  }
0x48: {  	_ =	shalt  }
0x49: {  	_ =	shalt  }
0x4a: {  	_ =	shalt  }
0x4b: {  	_ =	shalt  }
0x4c: {  	_ =	shalt  }
0x4d: {  	_ =	shalt  }
0x4e: {  	_ =	shalt  }
0x4f: {  	_ =	shalt  }
0x50: {  	_ =	shalt  }
0x51: {  	_ =	shalt  }
0x52: {  	_ =	shalt  }
0x53: {  	_ =	shalt  }
0x54: {  	_ =	shalt  }
0x55: {  	_ =	shalt  }
0x56: {  	_ =	shalt  }
0x57: {  	_ =	shalt  }
0x58: {  	_ =	shalt  }
0x59: {  	_ =	shalt  }
0x5a: {  	_ =	shalt  }
0x5b: {  	_ =	shalt  }
0x5c: {  	_ =	shalt  }
0x5d: {  	_ =	shalt  }
0x5e: {  	_ =	shalt  }
0x5f: {  	_ =	shalt  }
0x60: {  	_ =	shalt  }
0x61: {  	_ =	shalt  }
0x62: {  	_ =	shalt  }
0x63: {  	_ =	shalt  }
0x64: {  	_ =	shalt  }
0x65: {  	_ =	shalt  }
0x66: {  	_ =	shalt  }
0x67: {  	_ =	shalt  }
0x68: {  	_ =	shalt  }
0x69: {  	_ =	shalt  }
0x6a: {  	_ =	shalt  }
0x6b: {  	_ =	shalt  }
0x6c: {  	_ =	shalt  }
0x6d: {  	_ =	shalt  }
0x6e: {  	_ =	shalt  }
0x6f: {  	_ =	shalt  }
0x70: {  	_ =	shalt  }
0x71: {  	_ =	shalt  }
0x72: {  	_ =	shalt  }
0x73: {  	_ =	shalt  }
0x74: {  	_ =	shalt  }
0x75: {  	_ =	shalt  }
0x76: {  	_ =	shalt  }
0x77: {  	_ =	shalt  }
0x78: {  	_ =	shalt  }
0x79: {  	_ =	shalt  }
0x7a: {  	_ =	shalt  }
0x7b: {  	_ =	shalt  }
0x7c: {  	_ =	shalt  }
0x7d: {  	_ =	shalt  }
0x7e: {  	_ =	shalt  }
0x7f: {  	_ =	shalt  }
0x80: {  	_ =	shalt  }
0x81: {  	_ =	shalt  }
0x82: {  	_ =	shalt  }
0x83: {  	_ =	shalt  }
0x84: {  	_ =	shalt  }
0x85: {  	_ =	shalt  }
0x86: {  	_ =	shalt  }
0x87: {  	_ =	shalt  }
.Lfunc_end0:
.L_simem_size_0:
called_computation_lowered:
.L_overlay_start_0:
0x88: {  	s2 =	sld [smem:$0x3FD9]  }
0x89: {  	s3 =	sld [smem:$0x3FFE];
	_ =	sdelay $0x1  }
0x8a: {  	s1 =	srdreg.scid  }
0x8b: {  	s0 =	sand.u32 $0x1, s1  }
0x8c: {  	s17 =	sshll.u32 s0, $0xA;
	s2 =	sadd.s32 s3, s2  }
0x8d: {  	s2 =	sadd.s32 s2, s17  }
0x8e: {  	[smem:$0x3FC5] =	sst s2  }
0x8f: {  	_ = 	snop  }
0x90: {  	s2 =	sld [smem:$0x3FC7]  }
0x91: {  	s18 =	sld [smem:$0x3FD0];
	(tm) =	ssettm $0x1  }
0x92: {  	s4 =	sld [smem:$0x3FFB];
	_ =	sdelay $0x3  }
0x93: {  	_ =	strace s4  }
0x94: {  	s4 =	sld [smem:$0x3FFC];
	_ =	sdelay $0x3  }
0x95: {  	_ =	strace s4  }
0x96: {  	s4 =	sld [smem:$0x3FFD];
	_ =	sdelay $0x3  }
0x97: {  	_ =	strace s4  }
0x98: {  	_ =	strace $0x8FFFFFFF  }
0x99: {  	s19 =	sld [smem:$0x3FDB];
	_ =	sdelay $0x1  }
0x9a: {  	s5 =	simm.s32 $_scs_section_size  }
0x9b: {  	s6 =	simm.s32 $_size__tile_overlayer_lowered;
	s7 =	simm.s32 $_tile_overlayer_lowered  }
0x9c: {  	s22 =	simm.s32 $0x1BFF;
	s21 =	sshll.u32 s7, $0x1;
	s4 =	sadd.s32 s5, s19  }
0x9d: {  	s8 =	simm.s32 $0x0;
	s20 =	sshll.u32 s6, $0x1;
	s6 =	sadd.s32 s21, s4  }
0x9e: {  	[timem:s8], [sflag:s22] =	dma.local [hbm:s6], s20  }
0x9f: {  	_ =	swait.ge [sflag:s22], s20  }
0xa0: {  	s5 =	ssub.s32 $0x0, s20;
	[sflag:s22] =	ssyncset.done $0x0  }
0xa1: {  	[sflag:s22] =	ssyncadd.s32 s5;
	_ =	sdelay $0x1  }
0xa2: {  	s23 =	simm.s32 $0x1B8B  }
0xa3: {  	_ =	swait.ge [sflag:s23], $0x1  }
0xa4: {  	[sflag:s23] =	ssyncset.done $0x0  }
0xa5: {  	s25 =	simm.s32 $0x1B8E;
	s24 =	sld [smem:$0x3FFE];
	[sflag:s23] =	ssyncadd.s32 $0xFFFFFFFF  }
0xa6: {  	s26 =	simm.s32 $execute0_lowered;
	[smem:$0x3FD2] =	sst s25  }
0xa7: {  	s6 =	sshll.u32 s26, $0x1;
	_ =	strace $0x80000046;
	[dreg:$0x1] =	wrdreg $0xFFFFFFFF  }
0xa8: {  	s28 =	simm.s32 $_size_execute0_lowered;
	s4 =	sadd.s32 s4, s6;
	[dreg:$0x0] =	wrdreg $0x0  }
0xa9: {  	s6 =	sshll.u32 s28, $0x1;
	[dreg:$0x2] =	wrdreg s4  }
0xaa: {  	[dreg:$0x3] =	wrdreg s6  }
0xab: {  	[dreg:$0x4] =	wrdreg $0xC0  }
0xac: {  	_ =	task [dreg:s8], $0x5FFFF  }
0xad: {  	[dreg:$0x1] =	wrdreg $0xFFFFFFFF  }
0xae: {  	[dreg:$0x0] =	wrdreg $0x60  }
0xaf: {  	[dreg:$0x2] =	wrdreg s2  }
0xb0: {  	[dreg:$0x3] =	wrdreg s24  }
0xb1: {  	[dreg:$0x4] =	wrdreg s18  }
0xb2: {  	[dreg:$0x5] =	wrdreg $0x9  }
0xb3: {  	_ =	task.clear_ibuf [dreg:s8], $0x6FFFF;
	_ =	strace $0x90000046  }
0xb4: {  	s29 =	simm.s32 $0x9;
	_ =	strace $0x80000048  }
0xb5: {  	_ =	swait.ge [sflag:s29], $0x1  }
0xb6: {  	[sflag:s29] =	ssyncadd.s32 $0xFFFFFFFF  }
0xb7: {  	_ =	strace $0x90000048  }
0xb8: {  	_ =	sfence  }
0xb9: {  	s30 =	sld [smem:$0x0];
	_ =	sdelay $0x2  }
0xba: {  	s31 =	sshll.u32 s1, $0xD;
	s1 =	sshrl.u32 s1, $0x2  }
0xbb: {  	s3 =	sand.u32 $0x4000, s31;
	s1 =	sadd.s32 s1, s30  }
0xbc: {  	s0 =	sor.u32 s3, s0;
	s1 =	sshll.u32 s1, $0x11  }
0xbd: {  	s0 =	sor.u32 s1, s0  }
0xbe: {  	s0 =	sadd.s32 $0x8F2B, s0  }
0xbf: {  	[sflag:s0] =	ssyncadd.remote.s32 $0x1  }
0xc0: {  	_ =	sfence.sel $0xFFFF  }
0xc1: {  	[dreg:$0x0] =	wrdreg $0xFFFFFFFF;
	(pc) =	sbr.abs _section_cstart, $3  }
0xc2: {  	[dreg:$0x1] =	wrdreg $0xFFFFFFFF  }
0xc3: {  	_ =	task.clear_ibuf [dreg:s8], $0x2FFFF;
	_ =	strace $0x9FFFFFFF  }
0xc4: {  	(tm) =	ssettm $0x7FFFFFFF  }
0xc5: {  	_ =	shalt  }
tec
execute0_lowered:
.L_overlay_start_1:
0x0: {  	(tag) =	ssettag $0x1  }
0x1: {  	s2 =	srdreg.scid  }
0x2: {  	s1 =	rddreg [dreg:$0x0];
	s0 =	stileid.u32;
	s12 =	sand.u32 $0x1, s2  }
0x3: {  	s4 =	rddreg [dreg:$0x1];
	s31 =	sshll.u32 s0, $0x7;
	s3 =	sshll.u32 s12, $0x6  }
0x4: {  	s10 =	rddreg [dreg:$0x2];
	s11 =	sor.u32 s3, s31  }
0x5: {  	s2 =	rddreg [dreg:$0x3];
	s3 =	simm.s32 $0x0;
	s5 =	sshrl.u32 s11, $0x3  }
0x6: {  	[smem:$0x7FF] =	sst s3;
	s4 =	sadd.s32 s5, s4  }
0x7: {  	_ =	strace $0x80000047;
	s5 =	simm.s32 $0x4;
	s4 =	sadd.s32 $0xA00, s4  }
0x8: {  	[tilespmem:s3], [sflag:$0x4] =	stream.linear.gather [hbm4b:s4+s3], $0x40, $0x38;
	[tilespmem:$0x2080] =	vst v63  }
0x9: {  	_ =	swait.ge [sflag:s5], $0x40  }
0xa: {  	[sflag:s5] =	ssyncset.done $0x0  }
0xb: {  	s6 =	simm.s32 $0x20;
	s7 =	simm.s32 $0x80;
	[sflag:s5] =	ssyncadd.s32 $0xFFFFFFC0  }
0xc: {  	[tilespmem:s7], [sflag:$0x1] =	stream.indirect.gather [hbm4b:s1+s6], $0x80, s3, s6, $0xb8;
	[tilespmem:$0x2080] =	vst v63  }
0xd: {  	s8 =	simm.s32 $0x1080;
	s9 =	simm.s32 $0x1  }
0xe: {  	[tilespmem:s8], [sflag:$0x2] =	stream.indirect.gather [hbm4b:s1+s6], $0x80, s6, s6, $0xb8;
	[tilespmem:$0x2080] =	vst v63  }
0xf: {  	s13 =	ssub.s32 $0x2, s12;
	_ =	swait.ge [sflag:s9], $0x1000  }
0x10: {  	s14 =	sshrl.u32 s13, $0x1;
	s11 =	sshll.u32 s11, $0x4;
	[sflag:s9] =	ssyncset.done $0x0  }
0x11: {  	s10 =	sadd.s32 s10, s11;
	s11 =	simm.s32 $0x2;
	[sflag:s9] =	ssyncadd.s32 $0xFFFFF000  }
0x12: {  	[hbm4b:s10+s3] =	stream.linear.scatter [tilespmem:s7], [sflag:$0x3], $0x1000, $0x38;
	[tilespmem:$0x2080] =	vst v63  }
0x13: {  	s13 =	ssub.s32 s13, s14;
	_ =	swait.ge [sflag:s11], $0x1000  }
0x14: {  	s14 =	smax.u32 s13, $0x1;
	[sflag:s11] =	ssyncset.done $0x0  }
0x15: {  	s12 =	sadd.s32 $0x200, s10;
	p0 =	sne.s32 s14, $0x1;
	[sflag:s11] =	ssyncadd.s32 $0xFFFFF000  }
0x16: {  	[hbm4b:s12+s3] =	stream.linear.scatter [tilespmem:s8], [sflag:$0x4], $0x1000, $0x38;
	[tilespmem:$0x2080] =	vst v63  }
.Ltmp0:
0x17: {  	_ =	swait.ge [sflag:s5], $0x1000;
	(pc) =	sbr.rel @!p0 .LBB2_2-.Ltmp0, $4  }
0x18: {  	[sflag:s5] =	ssyncset.done $0x0  }
0x19: {  	s13 =	simm.s32 $0x3;
	[sflag:s5] =	ssyncadd.s32 $0xFFFFF000  }
0x1a: {  	_ =	swait.ge [sflag:s13], $0x1000  }
0x1b: {  	s14 =	sadd.s32 $0xFFFFFFFF, s14;
	[sflag:s13] =	ssyncset.done $0x0  }
.LBB2_1:
0x1c: {  	p0 =	sne.s32 s14, $0x1;
	s14 =	sadd.s32 $0xFFFFFFFF, s14;
	[sflag:s13] =	ssyncadd.s32 $0xFFFFF000  }
0x1d: {  	[tilespmem:s3], [sflag:$0x4] =	stream.linear.gather [hbm4b:s4+s3], $0x40, $0x38;
	[tilespmem:$0x2080] =	vst v63  }
0x1e: {  	_ =	swait.ge [sflag:s5], $0x40  }
0x1f: {  	[sflag:s5] =	ssyncset.done $0x0  }
0x20: {  	[sflag:s5] =	ssyncadd.s32 $0xFFFFFFC0  }
0x21: {  	[tilespmem:s7], [sflag:$0x1] =	stream.indirect.gather [hbm4b:s1+s6], $0x80, s3, s6, $0xb8;
	[tilespmem:$0x2080] =	vst v63  }
0x22: {  	_ = 	snop  }
0x23: {  	[tilespmem:s8], [sflag:$0x2] =	stream.indirect.gather [hbm4b:s1+s6], $0x80, s6, s6, $0xb8;
	[tilespmem:$0x2080] =	vst v63  }
0x24: {  	_ =	swait.ge [sflag:s9], $0x1000  }
0x25: {  	[sflag:s9] =	ssyncset.done $0x0  }
0x26: {  	[sflag:s9] =	ssyncadd.s32 $0xFFFFF000  }
0x27: {  	[hbm4b:s10+s3] =	stream.linear.scatter [tilespmem:s7], [sflag:$0x3], $0x1000, $0x38;
	[tilespmem:$0x2080] =	vst v63  }
0x28: {  	_ =	swait.ge [sflag:s11], $0x1000  }
0x29: {  	[sflag:s11] =	ssyncset.done $0x0  }
0x2a: {  	[sflag:s11] =	ssyncadd.s32 $0xFFFFF000  }
0x2b: {  	[hbm4b:s12+s3] =	stream.linear.scatter [tilespmem:s8], [sflag:$0x4], $0x1000, $0x38;
	[tilespmem:$0x2080] =	vst v63  }
.Ltmp1:
0x2c: {  	_ =	swait.ge [sflag:s5], $0x1000;
	(pc) =	sbr.rel @p0 .LBB2_1-.Ltmp1, $4  }
0x2d: {  	[sflag:s5] =	ssyncset.done $0x0  }
0x2e: {  	[sflag:s5] =	ssyncadd.s32 $0xFFFFF000  }
0x2f: {  	_ =	swait.ge [sflag:s13], $0x1000  }
0x30: {  	[sflag:s13] =	ssyncset.done $0x0  }
.LBB2_2:
0x31: {  	[sflag:s13] =	ssyncadd.s32 $0xFFFFF000  }
0x32: {  	_ =	sfence.sel $0x180000  }
0x33: {  	[bflag:$0x0] =	sbarrier.arrive $0xFFFF  }
0x34: {  	p0 =	sne.s32 s0, $0x0;
	_ =	strace $0x90000047  }
0x35: {  	s0 =	sadd.s32 @!p0 $0x100000, s2;
	[bflag:$0x2] =	sbarrier.arrive $0xFFFF  }
0x36: {  	[sflag:s0] =	ssyncadd.tile.s32 @!p0 $0x1;
	_ =	shalt  }
.Lfunc_end2:
_tile_overlayer_lowered:
.L_overlay_start_2:
0x37: {  	(tag) =	ssettag $0x2  }
0x38: {  	s0 =	rddreg [dreg:$0x0];
	s2 =	stileid.u32  }
0x39: {  	s1 =	rddreg [dreg:$0x1];
	p0 =	sne.s32 s2, $0x0  }
0x3a: {  	s3 =	rddreg [dreg:$0x2];
	[bflag:$0x3] =	sbarrier.arrive $0xFFFF;
	s2 =	simm.s32 @!p0 $0x1C04  }
0x3b: {  	[timem:s3], [sflag:s2] =	dma.local @!p0 [hbm:s0], s1  }
0x3c: {  	s0 =	simm.s32 @!p0 $0x4  }
0x3d: {  	_ =	swait.ge @!p0 [sflag:s0], s1  }
0x3e: {  	s1 =	ssub.s32 @!p0 $0x0, s1;
	[sflag:s0] =	ssyncset.done @!p0 $0x0  }
0x3f: {  	[sflag:s0] =	ssyncadd.s32 @!p0 s1  }
0x40: {  	[bflag:$0x3] =	sbarrier.arrive $0xFFFF  }
0x41: {  	_ =	shalt  }

</sc_bundles>
